<compile_context>
chip_gen: v7x
topology: tpu7x:2x2x1
jax: 0.10.2.dev20260603
libtpu: 0.0.44.dev20260713+nightly
codegen_flags: <defaults>
</compile_context>

<pallas_src>
import functools

import jax
import jax.numpy as jnp
from jax import lax
from jax.experimental import pallas as pl
from jax.experimental.pallas import tpu as pltpu
from jax.experimental.pallas import tpu_sc as plsc

_SC_NC = 2
_SC_NS = 16
_SC_NW = _SC_NC * _SC_NS



_PARALLEL2 = pltpu.CompilerParams(dimension_semantics=("parallel", "parallel"))


def _knn_kernel(k, n_total, a_ref, x_ref, idx_ref):
    b = pl.program_id(0)
    a = a_ref[0]
    x = x_ref[0]
    d = (jnp.sum(a * a, axis=-1)[:, None]
         + jnp.sum(x * x, axis=-1)[None, :]
         - 2.0 * lax.dot_general(a, x, (((1,), (1,)), ((), ())),
                                 preferred_element_type=jnp.float32))
    bs, n = d.shape
    iota_n = lax.broadcasted_iota(jnp.int32, (bs, n), 1)
    iota_k = lax.broadcasted_iota(jnp.int32, (bs, k), 1)

    def body(j, carry):
        d, idxs = carry
        idx = jnp.argmin(d, axis=1).astype(jnp.int32)
        idxs = jnp.where(iota_k == j, idx[:, None], idxs)
        d = jnp.where(iota_n == idx[:, None], jnp.inf, d)
        return d, idxs

    init = (d, jnp.zeros((bs, k), jnp.int32))
    _, idxs = lax.fori_loop(0, k, body, init)
    idx_ref[0] = idxs + b * n_total


def _knn(new_xyz, xyz, k, bs):
    B, S, _ = new_xyz.shape
    N = xyz.shape[1]
    return pl.pallas_call(
        functools.partial(_knn_kernel, k, N),
        grid=(B, S // bs),
        in_specs=[
            pl.BlockSpec((1, bs, 3), lambda b, s: (b, s, 0)),
            pl.BlockSpec((1, N, 3), lambda b, s: (b, 0, 0)),
        ],
        out_specs=pl.BlockSpec((1, bs, k), lambda b, s: (b, s, 0)),
        out_shape=jax.ShapeDtypeStruct((B, S, k), jnp.int32),
        compiler_params=_PARALLEL2,
    )(new_xyz, xyz)



def _sa1_mask_kernel(kk, a_ref, x_ref, m_ref):
    a = a_ref[0]
    x = x_ref[0]
    d = (jnp.sum(a * a, axis=-1)[:, None]
         + jnp.sum(x * x, axis=-1)[None, :]
         - 2.0 * lax.dot_general(a, x, (((1,), (1,)), ((), ())),
                                 preferred_element_type=jnp.float32))
    bs, n = d.shape
    bits = lax.bitcast_convert_type(d, jnp.int32)
    key = bits ^ ((bits >> 31) & jnp.int32(0x7FFFFFFF))
    iota_n = lax.broadcasted_iota(jnp.int32, (bs, n), 1)

    def halve(_, c):
        lo, hi = c
        mid = (lo >> 1) + (hi >> 1) + (lo & hi & 1)
        cnt = jnp.sum((key <= mid[:, None]).astype(jnp.int32), axis=1)
        ge = cnt >= kk
        return jnp.where(ge, lo, mid + 1), jnp.where(ge, mid, hi)

    lo0 = jnp.full((bs,), jnp.int32(-(2 ** 31)))
    hi0 = jnp.full((bs,), jnp.int32(2 ** 31 - 1))
    t, _ = lax.fori_loop(0, 32, halve, (lo0, hi0))

    lt = key < t[:, None]
    eq = key == t[:, None]
    need = kk - jnp.sum(lt.astype(jnp.int32), axis=1)
    eqi = jnp.where(eq, iota_n, n)

    def cond(c):
        j, _, _ = c
        return jnp.any(j < need)

    def take(c):
        j, eqi, cut = c
        cur = jnp.min(eqi, axis=1)
        act = j < need
        cut = jnp.where(act, cur, cut)
        eqi = jnp.where(act[:, None] & (eqi == cur[:, None]), n, eqi)
        return j + 1, eqi, cut

    _, _, cut = lax.while_loop(
        cond, take,
        (jnp.zeros((bs,), jnp.int32), eqi, jnp.full((bs,), n, jnp.int32)))
    mask = lt | (eq & (iota_n <= cut[:, None]))
    mi = mask.astype(jnp.int32)
    words = mi[:, 0:128]
    for j in range(1, n // 128):
        words = words + (mi[:, 128 * j:128 * j + 128] << j)

    iota_w = lax.broadcasted_iota(jnp.int32, (bs, 128), 1)
    iota_k = lax.broadcasted_iota(jnp.int32, (bs, kk), 1)
    int_min = jnp.int32(-(2 ** 31))

    def ext(i, c):
        words, idxs = c
        nz = words != 0
        wstar = jnp.min(jnp.where(nz, iota_w, 128), axis=1)
        sel = iota_w == wstar[:, None]
        wv = jnp.sum(jnp.where(sel, words, 0), axis=1)
        bbit = wv & (-wv)
        bpos = bbit & jnp.int32(0x7FFFFFFF)
        fexp = (lax.bitcast_convert_type(bpos.astype(jnp.float32), jnp.int32)
                >> 23) - 127
        j = jnp.where(bbit == int_min, 31, fexp)
        l = 128 * j + wstar
        idxs = jnp.where(iota_k == i, l[:, None], idxs)
        words = jnp.where(sel, words ^ bbit[:, None], words)
        return words, idxs

    _, idxs = lax.fori_loop(0, kk, ext,
                            (words, jnp.zeros((bs, kk), jnp.int32)))
    m_ref[0] = idxs + pl.program_id(0) * n


def _knn_bisect(new_xyz, xyz, k, bs):
    B, S, _ = new_xyz.shape
    N = xyz.shape[1]
    return pl.pallas_call(
        functools.partial(_sa1_mask_kernel, k),
        grid=(B, S // bs),
        in_specs=[
            pl.BlockSpec((1, bs, 3), lambda b, s: (b, s, 0)),
            pl.BlockSpec((1, N, 3), lambda b, s: (b, 0, 0)),
        ],
        out_specs=pl.BlockSpec((1, bs, k), lambda b, s: (b, s, 0)),
        out_shape=jax.ShapeDtypeStruct((B, S, k), jnp.int32),
        compiler_params=_PARALLEL2,
    )(new_xyz, xyz)



def _pick_chunk(bpw):
    for ch in range(min(128, bpw), 0, -8):
        if bpw % ch == 0 and (bpw // ch == 1 or (bpw // ch) % 2 == 0):
            return ch
    raise ValueError(bpw)


def _sc_gather(table, idx):
    Rt, D = table.shape
    Rq = idx.shape[0]
    assert Rq % (8 * _SC_NW) == 0, Rq
    bpw = Rq // _SC_NW
    ch = _pick_chunk(bpw)
    n_chunks = bpw // ch
    nbuf = 2 if n_chunks > 1 else 1
    idx3 = idx.reshape(_SC_NW, n_chunks, ch)

    mesh = plsc.VectorSubcoreMesh(core_axis_name="c", subcore_axis_name="s")
    scratch = ([pltpu.VMEM((n_chunks, ch), jnp.int32)]
               + [pltpu.VMEM((ch, D), jnp.float32) for _ in range(nbuf)]
               + [pltpu.SemaphoreType.DMA for _ in range(nbuf)])

    @functools.partial(
        pl.kernel,
        out_type=jax.ShapeDtypeStruct((Rq, D), jnp.float32),
        mesh=mesh,
        scratch_types=scratch,
        compiler_params=pltpu.CompilerParams(use_tc_tiling_on_sc=False),
    )
    def gather_kernel(table_h, idx_h, out_h, idx_v, *bufs_sems):
        bufs = bufs_sems[:nbuf]
        sems = bufs_sems[nbuf:]
        wid = lax.axis_index("s") * _SC_NC + lax.axis_index("c")
        base = wid * bpw
        pltpu.sync_copy(idx_h.at[wid], idx_v)
        if n_chunks == 1:
            pltpu.async_copy(table_h.at[idx_v.at[0]], bufs[0], sems[0]).wait()
            pltpu.sync_copy(bufs[0], out_h.at[pl.ds(base, ch)])
        else:
            def group(g, carry):
                cps = []
                for b in range(nbuf):
                    c = g * nbuf + b
                    cps.append(pltpu.async_copy(
                        table_h.at[idx_v.at[c]], bufs[b], sems[b]))
                for b in range(nbuf):
                    c = g * nbuf + b
                    cps[b].wait()
                    pltpu.sync_copy(bufs[b], out_h.at[pl.ds(base + c * ch, ch)])
                return carry
            lax.fori_loop(0, n_chunks // nbuf, group, 0)

    return gather_kernel(table, idx3)



def _sa_mlp_kernel(a_ref, rows_ref, w1_ref, b1_ref, w2_ref, b2_ref, out_ref):
    a = a_ref[0]
    rows = rows_ref[0]
    bs, k, dd = rows.shape
    feat = (rows - a[:, None, :]).reshape(bs * k, dd)
    h = jnp.maximum(feat @ w1_ref[...] + b1_ref[...], 0.0)
    h = jnp.maximum(h @ w2_ref[...] + b2_ref[...], 0.0)
    out_ref[0] = jnp.max(h.reshape(bs, k, -1), axis=1)


def _sa_layer(xyz, points, npoint, k, p):
    B, N, _ = xyz.shape
    stride = N // npoint
    new_xyz = xyz[:, ::stride, :]
    if N >= 1024:
        idx = _knn_bisect(new_xyz, xyz, k, bs=min(128, npoint))
    else:
        idx = _knn(new_xyz, xyz, k, bs=min(128, npoint))

    cin = 3 + points.shape[-1]
    D = -(-cin // 16) * 16
    pad = D - cin
    table = jnp.concatenate(
        [xyz, points] + ([jnp.zeros((B, N, pad), jnp.float32)] if pad else []),
        axis=-1).reshape(B * N, D)
    rows = _sc_gather(table, idx.reshape(-1)).reshape(B, npoint, k, D)

    a_pad = jnp.concatenate(
        [new_xyz, jnp.zeros((B, npoint, D - 3), jnp.float32)], axis=-1)
    w1 = jnp.concatenate(
        [p["ws"][0], jnp.zeros((D - cin, p["ws"][0].shape[1]), jnp.float32)], axis=0)
    c1 = w1.shape[1]
    c2 = p["ws"][1].shape[1]
    bs = min(64, npoint)
    out = pl.pallas_call(
        _sa_mlp_kernel,
        grid=(B, npoint // bs),
        in_specs=[
            pl.BlockSpec((1, bs, D), lambda b, s: (b, s, 0)),
            pl.BlockSpec((1, bs, k, D), lambda b, s: (b, s, 0, 0)),
            pl.BlockSpec((D, c1), lambda b, s: (0, 0)),
            pl.BlockSpec((c1,), lambda b, s: (0,)),
            pl.BlockSpec((c1, c2), lambda b, s: (0, 0)),
            pl.BlockSpec((c2,), lambda b, s: (0,)),
        ],
        out_specs=pl.BlockSpec((1, bs, c2), lambda b, s: (b, s, 0)),
        out_shape=jax.ShapeDtypeStruct((B, npoint, c2), jnp.float32),
        compiler_params=_PARALLEL2,
    )(a_pad, rows, w1, p["bs"][0], p["ws"][1], p["bs"][1])
    return new_xyz, out



def _fp_weight_kernel(k, n_total, a_ref, x_ref, idx_ref, w_ref):
    b = pl.program_id(0)
    a = a_ref[0]
    x = x_ref[0]
    d = (jnp.sum(a * a, axis=-1)[:, None]
         + jnp.sum(x * x, axis=-1)[None, :]
         - 2.0 * lax.dot_general(a, x, (((1,), (1,)), ((), ())),
                                 preferred_element_type=jnp.float32))
    bs, n = d.shape
    iota_n = lax.broadcasted_iota(jnp.int32, (bs, n), 1)
    iota_k = lax.broadcasted_iota(jnp.int32, (bs, k), 1)

    def body(j, carry):
        d, idxs, dists = carry
        m = jnp.min(d, axis=1)
        cand = jnp.where(d == m[:, None], iota_n, n)
        idx = jnp.min(cand, axis=1)
        sel = iota_k == j
        idxs = jnp.where(sel, idx[:, None], idxs)
        dists = jnp.where(sel, m[:, None], dists)
        d = jnp.where(iota_n == idx[:, None], jnp.inf, d)
        return d, idxs, dists

    init = (d, jnp.zeros((bs, k), jnp.int32), jnp.zeros((bs, k), jnp.float32))
    _, idxs, dists = lax.fori_loop(0, k, body, init)
    w = 1.0 / jnp.maximum(dists, 1e-10)
    w = w / jnp.sum(w, axis=-1, keepdims=True)
    idx_ref[0] = idxs + b * n_total
    w_ref[0] = w


def _fp_mlp_kernel(p1_ref, rows_ref, w_ref, w1a_ref, w1b_ref, b1_ref,
                   w2_ref, b2_ref, out_ref):
    p1 = p1_ref[0]
    rows = rows_ref[0]
    w = w_ref[0]
    interp = jnp.sum(rows * w[:, :, None], axis=1)
    h = p1 @ w1a_ref[...] + interp @ w1b_ref[...] + b1_ref[...]
    h = jnp.maximum(h, 0.0)
    out_ref[0] = jnp.maximum(h @ w2_ref[...] + b2_ref[...], 0.0)


def _fp_layer(xyz1, xyz2, points1, points2, p):
    B, S1, _ = xyz1.shape
    S2 = xyz2.shape[1]
    bs_knn = min(512, S1)
    idx, w = pl.pallas_call(
        functools.partial(_fp_weight_kernel, 3, S2),
        grid=(B, S1 // bs_knn),
        in_specs=[
            pl.BlockSpec((1, bs_knn, 3), lambda b, s: (b, s, 0)),
            pl.BlockSpec((1, S2, 3), lambda b, s: (b, 0, 0)),
        ],
        out_specs=[
            pl.BlockSpec((1, bs_knn, 3), lambda b, s: (b, s, 0)),
            pl.BlockSpec((1, bs_knn, 3), lambda b, s: (b, s, 0)),
        ],
        out_shape=[
            jax.ShapeDtypeStruct((B, S1, 3), jnp.int32),
            jax.ShapeDtypeStruct((B, S1, 3), jnp.float32),
        ],
        compiler_params=_PARALLEL2,
    )(xyz1, xyz2)

    C2 = points2.shape[-1]
    rows = _sc_gather(points2.reshape(B * S2, C2), idx.reshape(-1))
    rows = rows.reshape(B, S1, 3, C2)

    C1a = points1.shape[-1]
    w1a = p["ws"][0][:C1a]
    w1b = p["ws"][0][C1a:]
    c1 = w1a.shape[1]
    cout = p["ws"][1].shape[1]
    bs = min(256, S1)
    out = pl.pallas_call(
        _fp_mlp_kernel,
        grid=(B, S1 // bs),
        in_specs=[
            pl.BlockSpec((1, bs, C1a), lambda b, s: (b, s, 0)),
            pl.BlockSpec((1, bs, 3, C2), lambda b, s: (b, s, 0, 0)),
            pl.BlockSpec((1, bs, 3), lambda b, s: (b, s, 0)),
            pl.BlockSpec((C1a, c1), lambda b, s: (0, 0)),
            pl.BlockSpec((C2, c1), lambda b, s: (0, 0)),
            pl.BlockSpec((c1,), lambda b, s: (0,)),
            pl.BlockSpec((c1, cout), lambda b, s: (0, 0)),
            pl.BlockSpec((cout,), lambda b, s: (0,)),
        ],
        out_specs=pl.BlockSpec((1, bs, cout), lambda b, s: (b, s, 0)),
        out_shape=jax.ShapeDtypeStruct((B, S1, cout), jnp.float32),
        compiler_params=_PARALLEL2,
    )(points1, rows, w, w1a, w1b, p["bs"][0], p["ws"][1], p["bs"][1])
    return out



def _head1_kernel(f_ref, w_ref, b_ref, h_ref, p_ref):
    h = f_ref[...] @ w_ref[...] + b_ref[...]
    h_ref[...] = h
    ps = jnp.concatenate([jnp.sum(h, 0)[None], jnp.sum(h * h, 0)[None]], axis=0)

    @pl.when(pl.program_id(0) == 0)
    def _():
        p_ref[...] = ps

    @pl.when(pl.program_id(0) > 0)
    def _():
        p_ref[...] += ps


def _head2_kernel(h_ref, g_ref, bb_ref, w2_ref, b2_ref, mean_ref, var_ref,
                  out_ref):
    h = h_ref[...]
    h = (h - mean_ref[...]) * lax.rsqrt(var_ref[...] + 1e-5) * g_ref[...] + bb_ref[...]
    h = jnp.maximum(h, 0.0)
    logits = h @ w2_ref[...] + b2_ref[...]
    m = jnp.max(logits, axis=-1, keepdims=True)
    lse = jnp.log(jnp.sum(jnp.exp(logits - m), axis=-1, keepdims=True)) + m
    out_ref[...] = logits - lse


def _head(f1, params):
    B, N, C = f1.shape
    f2 = f1.reshape(B * N, C)
    h, psums = pl.pallas_call(
        _head1_kernel,
        grid=(B,),
        in_specs=[
            pl.BlockSpec((N, C), lambda i: (i, 0)),
            pl.BlockSpec((C, C), lambda i: (0, 0)),
            pl.BlockSpec((C,), lambda i: (0,)),
        ],
        out_specs=[
            pl.BlockSpec((N, C), lambda i: (i, 0)),
            pl.BlockSpec((2, C), lambda i: (0, 0)),
        ],
        out_shape=[
            jax.ShapeDtypeStruct((B * N, C), jnp.float32),
            jax.ShapeDtypeStruct((2, C), jnp.float32),
        ],
    )(f2, params["conv1_W"], params["conv1_b"])
    mean = psums[0] / (B * N)
    var = psums[1] / (B * N) - mean * mean
    ncls = params["conv2_W"].shape[1]
    out = pl.pallas_call(
        _head2_kernel,
        grid=(B,),
        in_specs=[
            pl.BlockSpec((N, C), lambda i: (i, 0)),
            pl.BlockSpec((C,), lambda i: (0,)),
            pl.BlockSpec((C,), lambda i: (0,)),
            pl.BlockSpec((C, ncls), lambda i: (0, 0)),
            pl.BlockSpec((ncls,), lambda i: (0,)),
            pl.BlockSpec((C,), lambda i: (0,)),
            pl.BlockSpec((C,), lambda i: (0,)),
        ],
        out_specs=pl.BlockSpec((N, ncls), lambda i: (i, 0)),
        out_shape=jax.ShapeDtypeStruct((B * N, ncls), jnp.float32),
        compiler_params=pltpu.CompilerParams(dimension_semantics=("parallel",)),
    )(h, params["bn_g"], params["bn_b"], params["conv2_W"], params["conv2_b"],
      mean, var)
    return out.reshape(B, N, ncls)



def _branch(xyz0, pts0, params):
    l1x, l1p = _sa_layer(xyz0, pts0, 1024, 64, params["sa1"])
    l2x, l2p = _sa_layer(l1x, l1p, 256, 48, params["sa2"])
    l3x, l3p = _sa_layer(l2x, l2p, 64, 32, params["sa3"])
    l4x, l4p = _sa_layer(l3x, l3p, 16, 16, params["sa4"])
    l3p = _fp_layer(l3x, l4x, l3p, l4p, params["fp4"])
    l2p = _fp_layer(l2x, l3x, l2p, l3p, params["fp3"])
    l1p = _fp_layer(l1x, l2x, l1p, l2p, params["fp2"])
    l0p = _fp_layer(xyz0, l1x, pts0, l1p, params["fp1"])
    return l0p


def kernel(pointcloud1, pointcloud2, params):
    pc = jnp.concatenate([pointcloud1, pointcloud2], axis=0)
    xyz, pts = pc[:, :, :3], pc[:, :, 3:]
    l0p = _branch(xyz, pts, params)
    B = pointcloud1.shape[0]
    sem = _head(l0p[:B], params)
    return sem, l0p[B:]

# --- scband reference (transcript-rebuilt; emitter-appended) ---
"""Pipeline reference for scband-point-semantic-40149354283162 (READ-ONLY COPY).

The authoritative reference and input builder live on the scoring server;
editing this copy changes nothing except your own understanding.
"""

import jax, jax.numpy as jnp
import numpy as np

B = 8
N = 4096
NUM_CLASSES = 8

SA_CFG = [
    (1024, 64, [6, 32, 64]),
    (256, 48, [67, 64, 128]),
    (64, 32, [131, 128, 256]),
    (16, 16, [259, 256, 512]),
]
FP_CFG = [
    ("fp4", [768, 256, 256]),
    ("fp3", [384, 256, 256]),
    ("fp2", [320, 256, 128]),
    ("fp1", [131, 128, 128]),
]

def _init_mlp(key, chans):
    ws, bs = [], []
    for i in range(len(chans) - 1):
        k = jax.random.fold_in(key, i)
        ws.append(jax.random.normal(k, (chans[i], chans[i + 1]), jnp.float32) * (1.0 / np.sqrt(chans[i])))
        bs.append(jnp.zeros((chans[i + 1],), jnp.float32))
    return {"ws": ws, "bs": bs}

def setup_inputs(seed: int = 0):
    key = jax.random.key(seed)
    pc1 = jax.random.normal(jax.random.fold_in(key, 1), (B, N, 6), jnp.float32)
    pc2 = jax.random.normal(jax.random.fold_in(key, 2), (B, N, 6), jnp.float32)
    params = {}
    for i, (_, _, chans) in enumerate(SA_CFG):
        params["sa%d" % (i + 1)] = _init_mlp(jax.random.fold_in(key, 10 + i), chans)
    for j, (name, chans) in enumerate(FP_CFG):
        params[name] = _init_mlp(jax.random.fold_in(key, 20 + j), chans)
    params["conv1_W"] = jax.random.normal(jax.random.fold_in(key, 30), (128, 128), jnp.float32) * (1.0 / np.sqrt(128))
    params["conv1_b"] = jnp.zeros((128,), jnp.float32)
    params["bn_g"] = jnp.ones((128,), jnp.float32)
    params["bn_b"] = jnp.zeros((128,), jnp.float32)
    params["conv2_W"] = jax.random.normal(jax.random.fold_in(key, 31), (128, NUM_CLASSES), jnp.float32) * (1.0 / np.sqrt(128))
    params["conv2_b"] = jnp.zeros((NUM_CLASSES,), jnp.float32)
    return {"pointcloud1": pc1, "pointcloud2": pc2, "params": params}

def _sqdist(a, b):
    return jnp.sum(a * a, -1)[:, :, None] + jnp.sum(b * b, -1)[:, None, :] - 2.0 * jnp.einsum("bsc,bnc->bsn", a, b)

def _gather(x, idx):
    return jax.vmap(lambda xb, ib: xb[ib])(x, idx)

def _mlp(feat, p):
    for W, b in zip(p["ws"], p["bs"]):
        feat = jax.nn.relu(feat @ W + b)
    return feat

def _sa(xyz, points, npoint, nsample, p):
    _, n, _ = xyz.shape
    stride = n // npoint
    sidx = jnp.arange(npoint) * stride
    new_xyz = xyz[:, sidx, :]
    d = _sqdist(new_xyz, xyz)
    _, knn = jax.lax.top_k(-d, nsample)
    g_xyz = _gather(xyz, knn) - new_xyz[:, :, None, :]
    if points is None:
        feat = g_xyz
    else:
        feat = jnp.concatenate([g_xyz, _gather(points, knn)], axis=-1)
    feat = _mlp(feat, p)
    return new_xyz, jnp.max(feat, axis=2)

def _fp(xyz1, xyz2, points1, points2, p):
    d = _sqdist(xyz1, xyz2)
    negd, idx = jax.lax.top_k(-d, 3)
    dist = jnp.maximum(-negd, 1e-10)
    w = 1.0 / dist
    w = w / jnp.sum(w, axis=-1, keepdims=True)
    interp = jnp.sum(_gather(points2, idx) * w[..., None], axis=2)
    if points1 is None:
        feat = interp
    else:
        feat = jnp.concatenate([points1, interp], axis=-1)
    return _mlp(feat, p)

def _branch(xyz0, pts0, params):
    l1x, l1p = _sa(xyz0, pts0, 1024, 64, params["sa1"])
    l2x, l2p = _sa(l1x, l1p, 256, 48, params["sa2"])
    l3x, l3p = _sa(l2x, l2p, 64, 32, params["sa3"])
    l4x, l4p = _sa(l3x, l3p, 16, 16, params["sa4"])
    l3p = _fp(l3x, l4x, l3p, l4p, params["fp4"])
    l2p = _fp(l2x, l3x, l2p, l3p, params["fp3"])
    l1p = _fp(l1x, l2x, l1p, l2p, params["fp2"])
    l0p = _fp(xyz0, l1x, pts0, l1p, params["fp1"])
    return l0p

def _forward(pc1, pc2, params):
    xyz1, pts1 = pc1[:, :, :3], pc1[:, :, 3:]
    xyz2, pts2 = pc2[:, :, :3], pc2[:, :, 3:]
    f1 = _branch(xyz1, pts1, params)
    h = f1 @ params["conv1_W"] + params["conv1_b"]
    mean = jnp.mean(h, axis=(0, 1))
    var = jnp.var(h, axis=(0, 1))
    h = (h - mean) / jnp.sqrt(var + 1e-5) * params["bn_g"] + params["bn_b"]
    h = jax.nn.relu(h)
    logits = h @ params["conv2_W"] + params["conv2_b"]
    sem = jax.nn.log_softmax(logits, axis=-1)
    kitti = _branch(xyz2, pts2, params)
    return sem, kitti

def reference(pointcloud1, pointcloud2, params):
    return _forward(pointcloud1, pointcloud2, params)

if __name__ == "__main__":
    import jax
    _d = setup_inputs()
    print(jax.jit(kernel)(*tuple(_d.values())))

</pallas_src>

<mosaic_0001>
module attributes {stable_mosaic.version = 14 : i64} {
  func.func @_head1_kernel(%arg0: i32, %arg1: memref<4096x128xf32, #tpu.memory_space<vmem>>, %arg2: memref<128x128xf32, #tpu.memory_space<vmem>>, %arg3: memref<128xf32, #tpu.memory_space<vmem>>, %arg4: memref<4096x128xf32, #tpu.memory_space<vmem>>, %arg5: memref<2x128xf32, #tpu.memory_space<vmem>>) attributes {dimension_semantics = [#tpu.dimension_semantics<arbitrary>], iteration_bounds = array<i64: 8>, scalar_prefetch = 0 : i64, scratch_operands = 0 : i64, tpu.core_type = #tpu.core_type<tc>, window_params = [{transform_indices = @transform_0, window_bounds = array<i64: 4096, 128>}, {pipeline_mode = #tpu.pipeline_mode<synchronous>, transform_indices = @transform_1, window_bounds = array<i64: 128, 128>}, {pipeline_mode = #tpu.pipeline_mode<synchronous>, transform_indices = @transform_2, window_bounds = array<i64: 128>}, {transform_indices = @transform_3, window_bounds = array<i64: 4096, 128>}, {pipeline_mode = #tpu.pipeline_mode<synchronous>, transform_indices = @transform_4, window_bounds = array<i64: 2, 128>}]} {
    %get3A = arith.constant 0 : index
    %get3A_0 = arith.constant 0 : index
    %get3A_1 = vector.load %arg1[%get3A, %get3A_0] : memref<4096x128xf32, #tpu.memory_space<vmem>>, vector<4096x128xf32>
    %get3A_2 = arith.constant 0 : index
    %get3A_3 = arith.constant 0 : index
    %get3A_4 = vector.load %arg2[%get3A_2, %get3A_3] : memref<128x128xf32, #tpu.memory_space<vmem>>, vector<128x128xf32>
    %dot_general3A = arith.constant dense<0.000000e+00> : vector<4096x128xf32>
    %dot_general3A_5 = tpu.matmul %get3A_1, %get3A_4, %dot_general3A {dimension_numbers = #tpu.dot_dimension_numbers<[1], [0], [0], [1], [0, 0, 1, 1], [], []>, transpose_lhs_hint = false} : vector<4096x128xf32>, vector<128x128xf32>, vector<4096x128xf32> -> vector<4096x128xf32>
    %get3A_6 = arith.constant 0 : index
    %get3A_7 = vector.load %arg3[%get3A_6] : memref<128xf32, #tpu.memory_space<vmem>>, vector<128xf32>
    %broadcast_in_dim3A = vector.shape_cast %get3A_7 : vector<128xf32> to vector<1x128xf32>
    %add3A = vector.broadcast %broadcast_in_dim3A : vector<1x128xf32> to vector<4096x128xf32>
    %add3A_8 = arith.addf %dot_general3A_5, %add3A : vector<4096x128xf32>
    %swap3A = arith.constant 0 : index
    %swap3A_9 = arith.constant 0 : index
    %swap3A_10 = vector.load %arg4[%swap3A, %swap3A_9] : memref<4096x128xf32, #tpu.memory_space<vmem>>, vector<4096x128xf32>
    tpu.vector_store %arg4[%swap3A, %swap3A_9], %add3A_8 {strides = array<i32>} : memref<4096x128xf32, #tpu.memory_space<vmem>>, vector<4096x128xf32>,
    %reduce_sum3A = arith.constant dense<0.000000e+00> : vector<128xf32>
    %reduce_sum3A_11 = vector.multi_reduction <add>, %add3A_8, %reduce_sum3A [0] : vector<4096x128xf32> to vector<128xf32>
    %broadcast_in_dim3A_12 = vector.shape_cast %reduce_sum3A_11 : vector<128xf32> to vector<1x128xf32>
    %mul3A = arith.mulf %add3A_8, %add3A_8 : vector<4096x128xf32>
    %reduce_sum3A_13 = arith.constant dense<0.000000e+00> : vector<128xf32>
    %reduce_sum3A_14 = vector.multi_reduction <add>, %mul3A, %reduce_sum3A_13 [0] : vector<4096x128xf32> to vector<128xf32>
    %broadcast_in_dim3A_15 = vector.shape_cast %reduce_sum3A_14 : vector<128xf32> to vector<1x128xf32>
    %concatenate3A = tpu.concatenate %broadcast_in_dim3A_12, %broadcast_in_dim3A_15 in 0 : vector<1x128xf32>, vector<1x128xf32> -> vector<2x128xf32>
    %eq3A = arith.constant 0 : i32
    %eq3A_16 = arith.cmpi eq, %arg0, %eq3A : i32
    %convert_element_type3A = arith.extui %eq3A_16 : i1 to i32
    %cond3A = arith.constant 0 : i32
    %cond3A_17 = arith.cmpi ne, %convert_element_type3A, %cond3A : i32
    scf.if %cond3A_17 {
      %swap3A_22 = arith.constant 0 : index
      %swap3A_23 = arith.constant 0 : index
      %swap3A_24 = vector.load %arg5[%swap3A_22, %swap3A_23] : memref<2x128xf32, #tpu.memory_space<vmem>>, vector<2x128xf32>
      tpu.vector_store %arg5[%swap3A_22, %swap3A_23], %concatenate3A {strides = array<i32>} : memref<2x128xf32, #tpu.memory_space<vmem>>, vector<2x128xf32>,
    } else {
    }
    %gt3A = arith.constant 0 : i32
    %gt3A_18 = arith.cmpi sgt, %arg0, %gt3A : i32
    %convert_element_type3A_19 = arith.extui %gt3A_18 : i1 to i32
    %cond3A_20 = arith.constant 0 : i32
    %cond3A_21 = arith.cmpi ne, %convert_element_type3A_19, %cond3A_20 : i32
    scf.if %cond3A_21 {
      %get3A_22 = arith.constant 0 : index
      %get3A_23 = arith.constant 0 : index
      %get3A_24 = vector.load %arg5[%get3A_22, %get3A_23] : memref<2x128xf32, #tpu.memory_space<vmem>>, vector<2x128xf32>
      %add3A_25 = arith.addf %get3A_24, %concatenate3A : vector<2x128xf32>
      %swap3A_26 = arith.constant 0 : index
      %swap3A_27 = arith.constant 0 : index
      %swap3A_28 = vector.load %arg5[%swap3A_26, %swap3A_27] : memref<2x128xf32, #tpu.memory_space<vmem>>, vector<2x128xf32>
      tpu.vector_store %arg5[%swap3A_26, %swap3A_27], %add3A_25 {strides = array<i32>} : memref<2x128xf32, #tpu.memory_space<vmem>>, vector<2x128xf32>,
    } else {
    }
    return
  }
  func.func @transform_0(%arg0: i32) -> (i32, i32) {
    %c0_i32 = arith.constant 0 : i32
    %c0_i32_0 = arith.constant 0 : i32
    return %arg0, %c0_i32 : i32, i32
  }
  func.func @transform_1(%arg0: i32) -> (i32, i32) {
    %c0_i32 = arith.constant 0 : i32
    %c0_i32_0 = arith.constant 0 : i32
    %c0_i32_1 = arith.constant 0 : i32
    return %c0_i32, %c0_i32_0 : i32, i32
  }
  func.func @transform_2(%arg0: i32) -> i32 {
    %c0_i32 = arith.constant 0 : i32
    %c0_i32_0 = arith.constant 0 : i32
    return %c0_i32 : i32
  }
  func.func @transform_3(%arg0: i32) -> (i32, i32) {
    %c0_i32 = arith.constant 0 : i32
    %c0_i32_0 = arith.constant 0 : i32
    return %arg0, %c0_i32 : i32, i32
  }
  func.func @transform_4(%arg0: i32) -> (i32, i32) {
    %c0_i32 = arith.constant 0 : i32
    %c0_i32_0 = arith.constant 0 : i32
    %c0_i32_1 = arith.constant 0 : i32
    return %c0_i32, %c0_i32_0 : i32, i32
  }
}

module attributes {stable_mosaic.version = 14 : i64} {
  func.func @_head2_kernel(%arg0: i32, %arg1: memref<4096x128xf32, #tpu.memory_space<vmem>>, %arg2: memref<128xf32, #tpu.memory_space<vmem>>, %arg3: memref<128xf32, #tpu.memory_space<vmem>>, %arg4: memref<128x8xf32, #tpu.memory_space<vmem>>, %arg5: memref<8xf32, #tpu.memory_space<vmem>>, %arg6: memref<128xf32, #tpu.memory_space<vmem>>, %arg7: memref<128xf32, #tpu.memory_space<vmem>>, %arg8: memref<4096x8xf32, #tpu.memory_space<vmem>>) attributes {dimension_semantics = [#tpu.dimension_semantics<parallel>], iteration_bounds = array<i64: 8>, scalar_prefetch = 0 : i64, scratch_operands = 0 : i64, tpu.core_type = #tpu.core_type<tc>, window_params = [{transform_indices = @transform_0, window_bounds = array<i64: 4096, 128>}, {pipeline_mode = #tpu.pipeline_mode<synchronous>, transform_indices = @transform_1, window_bounds = array<i64: 128>}, {pipeline_mode = #tpu.pipeline_mode<synchronous>, transform_indices = @transform_2, window_bounds = array<i64: 128>}, {pipeline_mode = #tpu.pipeline_mode<synchronous>, transform_indices = @transform_3, window_bounds = array<i64: 128, 8>}, {pipeline_mode = #tpu.pipeline_mode<synchronous>, transform_indices = @transform_4, window_bounds = array<i64: 8>}, {pipeline_mode = #tpu.pipeline_mode<synchronous>, transform_indices = @transform_5, window_bounds = array<i64: 128>}, {pipeline_mode = #tpu.pipeline_mode<synchronous>, transform_indices = @transform_6, window_bounds = array<i64: 128>}, {transform_indices = @transform_7, window_bounds = array<i64: 4096, 8>}]} {
    %get3A = arith.constant 0 : index
    %get3A_0 = arith.constant 0 : index
    %get3A_1 = vector.load %arg1[%get3A, %get3A_0] : memref<4096x128xf32, #tpu.memory_space<vmem>>, vector<4096x128xf32>
    %get3A_2 = arith.constant 0 : index
    %get3A_3 = vector.load %arg6[%get3A_2] : memref<128xf32, #tpu.memory_space<vmem>>, vector<128xf32>
    %broadcast_in_dim3A = vector.shape_cast %get3A_3 : vector<128xf32> to vector<1x128xf32>
    %sub3A = vector.broadcast %broadcast_in_dim3A : vector<1x128xf32> to vector<4096x128xf32>
    %sub3A_4 = arith.subf %get3A_1, %sub3A : vector<4096x128xf32>
    %get3A_5 = arith.constant 0 : index
    %get3A_6 = vector.load %arg7[%get3A_5] : memref<128xf32, #tpu.memory_space<vmem>>, vector<128xf32>
    %add3A = arith.constant 9.99999974E-6 : f32
    %add3A_7 = vector.broadcast %add3A : f32 to vector<128xf32>
    %add3A_8 = arith.addf %get3A_6, %add3A_7 : vector<128xf32>
    %rsqrt3A = math.rsqrt %add3A_8 : vector<128xf32>
    %broadcast_in_dim3A_9 = vector.shape_cast %rsqrt3A : vector<128xf32> to vector<1x128xf32>
    %mul3A = vector.broadcast %broadcast_in_dim3A_9 : vector<1x128xf32> to vector<4096x128xf32>
    %mul3A_10 = arith.mulf %sub3A_4, %mul3A : vector<4096x128xf32>
    %get3A_11 = arith.constant 0 : index
    %get3A_12 = vector.load %arg2[%get3A_11] : memref<128xf32, #tpu.memory_space<vmem>>, vector<128xf32>
    %broadcast_in_dim3A_13 = vector.shape_cast %get3A_12 : vector<128xf32> to vector<1x128xf32>
    %mul3A_14 = vector.broadcast %broadcast_in_dim3A_13 : vector<1x128xf32> to vector<4096x128xf32>
    %mul3A_15 = arith.mulf %mul3A_10, %mul3A_14 : vector<4096x128xf32>
    %get3A_16 = arith.constant 0 : index
    %get3A_17 = vector.load %arg3[%get3A_16] : memref<128xf32, #tpu.memory_space<vmem>>, vector<128xf32>
    %broadcast_in_dim3A_18 = vector.shape_cast %get3A_17 : vector<128xf32> to vector<1x128xf32>
    %add3A_19 = vector.broadcast %broadcast_in_dim3A_18 : vector<1x128xf32> to vector<4096x128xf32>
    %add3A_20 = arith.addf %mul3A_15, %add3A_19 : vector<4096x128xf32>
    %max3A = arith.constant 0.000000e+00 : f32
    %max3A_21 = vector.broadcast %max3A : f32 to vector<4096x128xf32>
    %max3A_22 = arith.maximumf %add3A_20, %max3A_21 : vector<4096x128xf32>
    %get3A_23 = arith.constant 0 : index
    %get3A_24 = arith.constant 0 : index
    %get3A_25 = vector.load %arg4[%get3A_23, %get3A_24] : memref<128x8xf32, #tpu.memory_space<vmem>>, vector<128x8xf32>
    %dot_general3A = arith.constant dense<0.000000e+00> : vector<4096x8xf32>
    %dot_general3A_26 = tpu.matmul %max3A_22, %get3A_25, %dot_general3A {dimension_numbers = #tpu.dot_dimension_numbers<[1], [0], [0], [1], [0, 0, 1, 1], [], []>, transpose_lhs_hint = false} : vector<4096x128xf32>, vector<128x8xf32>, vector<4096x8xf32> -> vector<4096x8xf32>
    %get3A_27 = arith.constant 0 : index
    %get3A_28 = vector.load %arg5[%get3A_27] : memref<8xf32, #tpu.memory_space<vmem>>, vector<8xf32>
    %broadcast_in_dim3A_29 = vector.shape_cast %get3A_28 : vector<8xf32> to vector<1x8xf32>
    %add3A_30 = vector.broadcast %broadcast_in_dim3A_29 : vector<1x8xf32> to vector<4096x8xf32>
    %add3A_31 = arith.addf %dot_general3A_26, %add3A_30 : vector<4096x8xf32>
    %reduce_max3A = arith.constant dense<0xFF800000> : vector<4096xf32>
    %reduce_max3A_32 = vector.multi_reduction <maximumf>, %add3A_31, %reduce_max3A [1] : vector<4096x8xf32> to vector<4096xf32>
    %broadcast_in_dim3A_33 = vector.shape_cast %reduce_max3A_32 : vector<4096xf32> to vector<4096x1xf32>
    %sub3A_34 = vector.broadcast %broadcast_in_dim3A_33 : vector<4096x1xf32> to vector<4096x8xf32>
    %sub3A_35 = arith.subf %add3A_31, %sub3A_34 : vector<4096x8xf32>
    %exp3A = math.exp %sub3A_35 : vector<4096x8xf32>
    %reduce_sum3A = arith.constant dense<0.000000e+00> : vector<4096xf32>
    %reduce_sum3A_36 = vector.multi_reduction <add>, %exp3A, %reduce_sum3A [1] : vector<4096x8xf32> to vector<4096xf32>
    %broadcast_in_dim3A_37 = vector.shape_cast %reduce_sum3A_36 : vector<4096xf32> to vector<4096x1xf32>
    %log3A = math.log %broadcast_in_dim3A_37 : vector<4096x1xf32>
    %add3A_38 = arith.addf %log3A, %broadcast_in_dim3A_33 : vector<4096x1xf32>
    %sub3A_39 = vector.broadcast %add3A_38 : vector<4096x1xf32> to vector<4096x8xf32>
    %sub3A_40 = arith.subf %add3A_31, %sub3A_39 : vector<4096x8xf32>
    %swap3A = arith.constant 0 : index
    %swap3A_41 = arith.constant 0 : index
    %swap3A_42 = vector.load %arg8[%swap3A, %swap3A_41] : memref<4096x8xf32, #tpu.memory_space<vmem>>, vector<4096x8xf32>
    tpu.vector_store %arg8[%swap3A, %swap3A_41], %sub3A_40 {strides = array<i32>} : memref<4096x8xf32, #tpu.memory_space<vmem>>, vector<4096x8xf32>,
    return
  }
  func.func @transform_0(%arg0: i32) -> (i32, i32) {
    %c0_i32 = arith.constant 0 : i32
    %c0_i32_0 = arith.constant 0 : i32
    return %arg0, %c0_i32 : i32, i32
  }
  func.func @transform_1(%arg0: i32) -> i32 {
    %c0_i32 = arith.constant 0 : i32
    %c0_i32_0 = arith.constant 0 : i32
    return %c0_i32 : i32
  }
  func.func @transform_2(%arg0: i32) -> i32 {
    %c0_i32 = arith.constant 0 : i32
    %c0_i32_0 = arith.constant 0 : i32
    return %c0_i32 : i32
  }
  func.func @transform_3(%arg0: i32) -> (i32, i32) {
    %c0_i32 = arith.constant 0 : i32
    %c0_i32_0 = arith.constant 0 : i32
    %c0_i32_1 = arith.constant 0 : i32
    return %c0_i32, %c0_i32_0 : i32, i32
  }
  func.func @transform_4(%arg0: i32) -> i32 {
    %c0_i32 = arith.constant 0 : i32
    %c0_i32_0 = arith.constant 0 : i32
    return %c0_i32 : i32
  }
  func.func @transform_5(%arg0: i32) -> i32 {
    %c0_i32 = arith.constant 0 : i32
    %c0_i32_0 = arith.constant 0 : i32
    return %c0_i32 : i32
  }
  func.func @transform_6(%arg0: i32) -> i32 {
    %c0_i32 = arith.constant 0 : i32
    %c0_i32_0 = arith.constant 0 : i32
    return %c0_i32 : i32
  }
  func.func @transform_7(%arg0: i32) -> (i32, i32) {
    %c0_i32 = arith.constant 0 : i32
    %c0_i32_0 = arith.constant 0 : i32
    return %arg0, %c0_i32 : i32, i32
  }
}

</mosaic_0001>

<sc_bundles>
// kernel: sparse-core-data-format-call.1.cloned.1.call-start
scs
called_computation.1_lowered:
.L_overlay_start_0:
0x0: {  	s1 =	sld [smem:$0x3FD9]  }
0x1: {  	s2 =	sld [smem:$0x3FFE];
	_ =	sdelay $0x1  }
0x2: {  	s3 =	srdreg.scid  }
0x3: {  	s0 =	sand.u32 $0x1, s3  }
0x4: {  	s17 =	sshll.u32 s0, $0xA;
	s1 =	sadd.s32 s2, s1  }
0x5: {  	s1 =	sadd.s32 s1, s17  }
0x6: {  	[smem:$0x3FA0] =	sst s1  }
0x7: {  	_ = 	snop  }
0x8: {  	(tm) =	ssettm $0x1  }
0x9: {  	s18 =	sld [smem:$0x3FFB];
	_ =	sdelay $0x3  }
0xa: {  	_ =	strace s18  }
0xb: {  	s1 =	sld [smem:$0x3FFC];
	_ =	sdelay $0x3  }
0xc: {  	_ =	strace s1  }
0xd: {  	s1 =	sld [smem:$0x3FFD];
	_ =	sdelay $0x3  }
0xe: {  	_ =	strace s1  }
0xf: {  	_ =	strace $0x8FFFFFFF  }
0x10: {  	s19 =	sld [smem:$0x3FDB];
	_ =	sdelay $0x1  }
0x11: {  	s20 =	simm.s32 $_scs_section_size  }
0x12: {  	s4 =	simm.s32 $_size__tile_overlayer_lowered;
	s5 =	simm.s32 $_tile_overlayer_lowered  }
0x13: {  	s23 =	simm.s32 $0x1BFF;
	s22 =	sshll.u32 s5, $0x1;
	s1 =	sadd.s32 s20, s19  }
0x14: {  	s6 =	simm.s32 $0x0;
	s21 =	sshll.u32 s4, $0x1;
	s4 =	sadd.s32 s22, s1  }
0x15: {  	[timem:s6], [sflag:s23] =	dma.local [hbm:s4], s21  }
0x16: {  	_ =	swait.ge [sflag:s23], s21  }
0x17: {  	s2 =	ssub.s32 $0x0, s21;
	[sflag:s23] =	ssyncset.done $0x0  }
0x18: {  	[sflag:s23] =	ssyncadd.s32 s2;
	_ =	sdelay $0x1  }
0x19: {  	s24 =	simm.s32 $0x1B8B  }
0x1a: {  	_ =	swait.ge [sflag:s24], $0x1  }
0x1b: {  	[sflag:s24] =	ssyncset.done $0x0  }
0x1c: {  	s26 =	simm.s32 $0x1B8E;
	s25 =	sld [smem:$0x3FFE];
	[sflag:s24] =	ssyncadd.s32 $0xFFFFFFFF  }
0x1d: {  	s27 =	simm.s32 $execute0_lowered;
	[smem:$0x3FD2] =	sst s26  }
0x1e: {  	s4 =	sshll.u32 s27, $0x1;
	_ =	strace $0x80000046;
	[dreg:$0x1] =	wrdreg $0xFFFFFFFF  }
0x1f: {  	s28 =	simm.s32 $_size_execute0_lowered;
	s1 =	sadd.s32 s1, s4;
	[dreg:$0x0] =	wrdreg $0x0  }
0x20: {  	s4 =	sshll.u32 s28, $0x1;
	[dreg:$0x2] =	wrdreg s1  }
0x21: {  	[dreg:$0x3] =	wrdreg s4  }
0x22: {  	[dreg:$0x4] =	wrdreg $0xC0  }
0x23: {  	_ =	task [dreg:s6], $0x5FFFF  }
0x24: {  	[dreg:$0x1] =	wrdreg $0xFFFFFFFF  }
0x25: {  	[dreg:$0x0] =	wrdreg $0x60  }
0x26: {  	[dreg:$0x2] =	wrdreg s25  }
0x27: {  	[dreg:$0x3] =	wrdreg $0xA  }
0x28: {  	_ =	task.clear_ibuf [dreg:s6], $0x4FFFF;
	_ =	strace $0x90000046  }
0x29: {  	s29 =	simm.s32 $0xA;
	_ =	strace $0x80000048  }
0x2a: {  	_ =	swait.ge [sflag:s29], $0x1  }
0x2b: {  	[sflag:s29] =	ssyncadd.s32 $0xFFFFFFFF  }
0x2c: {  	_ =	strace $0x90000048  }
0x2d: {  	_ =	sfence  }
0x2e: {  	s30 =	sld [smem:$0x0];
	_ =	sdelay $0x2  }
0x2f: {  	s31 =	sshll.u32 s3, $0xD;
	s3 =	sshrl.u32 s3, $0x2  }
0x30: {  	s2 =	sand.u32 $0x4000, s31;
	s1 =	sadd.s32 s3, s30  }
0x31: {  	s0 =	sor.u32 s2, s0;
	s1 =	sshll.u32 s1, $0x11  }
0x32: {  	s0 =	sor.u32 s1, s0  }
0x33: {  	s0 =	sadd.s32 $0x8F2B, s0  }
0x34: {  	[sflag:s0] =	ssyncadd.remote.s32 $0x1  }
0x35: {  	_ =	sfence.sel $0xFFFF  }
0x36: {  	[dreg:$0x0] =	wrdreg $0xFFFFFFFF;
	(pc) =	sbr.abs _section_cstart, $3  }
0x37: {  	[dreg:$0x1] =	wrdreg $0xFFFFFFFF  }
0x38: {  	_ =	task.clear_ibuf [dreg:s6], $0x2FFFF;
	_ =	strace $0x9FFFFFFF  }
0x39: {  	(tm) =	ssettm $0x7FFFFFFF  }
tec
execute0_lowered:
.L_overlay_start_1:
0x0: {  	(tag) =	ssettag $0x1  }
0x1: {  	s0 =	srdreg.scid;
	s3 =	rddreg [dreg:$0x0];
	s5 =	simm.s32 $0x1  }
0x2: {  	s7 =	simm.s32 $0x2;
	s15 =	simm.s32 $0x0;
	p0 =	por $0x0, $0x0  }
0x3: {  	s8 =	simm.s32 $0x2000;
	s13 =	simm.s32 $0x0;
	s1 =	sshll.u32 s0, $0x7  }
0x4: {  	s14 =	simm.s32 $0x0;
	s9 =	simm.s32 $0x0;
	s1 =	sand.u32 $0x80, s1  }
0x5: {  	s0 =	rddreg [dreg:$0x1];
	_ =	strace $0x80000047;
	s6 =	ssub.s32 $0x400, s1  }
.Ltmp0:
0x6: {  	s2 =	sadd.s32 $0x14A00, s3;
	s31 =	sshrl.u32 s6, $0x7;
	(pc) =	sbr.rel .LBB1_1-.Ltmp0, $4  }
0x7: {  	s4 =	sadd.s32 $0x814A00, s3;
	s6 =	sshrl.u32 s6, $0x8;
	s3 =	sand.u32 $0x1, s31  }
0x8: {  	s11 =	stileid.u32;
	[sflag:s5] =	ssyncpa.u1 $0x0;
	s6 =	sadd.s32 s6, s3  }
0x9: {  	s12 =	simm.s32 $0x0;
	[sflag:s7] =	ssyncpa.u1 $0x0;
	s6 =	sshll.u32 s6, $0x5  }
0xa: {  	s10 =	smov.u32 s1;
	s3 =	stileid.u32;
	s7 =	sor.u32 $0x1, s6  }
.LBB1_4:
0xb: {  	v5 =	vld [tilespmem:s19+$0xFFFFFFD0];
	[tilespmem:s18+$0x2040 ss:$0x81] =	vst.msk $0xffff, v1  }
0xc: {  	v58 =	vld [tilespmem:s19+$0xFFFFFFE0];
	[tilespmem:s18+$0x2850 ss:$0x81] =	vst.msk $0xffff, v2  }
0xd: {  	s20 =	sshra.s32 s20, $0x2;
	v59 =	vld [tilespmem:s19+$0xFFFFFFF0];
	[tilespmem:s18+$0x3060 ss:$0x81] =	vst.msk $0xffff, v3  }
0xe: {  	v60 =	vld [tilespmem:s19+$0x0];
	[tilespmem:s18+$0x0 ss:$0x81] =	vst.msk $0xffff, v0;
	s17 =	sadd.s32 s20, s17  }
0xf: {  	v61 =	vld [tilespmem:s19+$0x10];
	[tilespmem:s17+$0x3870 ss:$0x81] =	vst.msk $0xffff, v4  }
0x10: {  	v62 =	vld [tilespmem:s19+$0x20];
	s26 =	sshll.u32 s15, $0xA;
	s27 =	sshll.u32 s13, $0x3;
	[tilespmem:s17+$0x810 ss:$0x81] =	vst.msk $0xffff, v5  }
0x11: {  	v63 =	vld [tilespmem:s19+$0xFFFFFFC0];
	s29 =	sshll.u32 s15, $0x7;
	s30 =	sand.u32 $0x78, s13;
	s14 =	sshll.u32 s14, $0x13;
	[tilespmem:s17+$0x1020 ss:$0x81] =	vst.msk $0xffff, v58  }
0x12: {  	s18 =	sand.u32 $0x3FE000, s26;
	s28 =	sand.u32 $0x3FFC00, s27;
	s15 =	sand.u32 $0x380, s29;
	[tilespmem:s17+$0x1830 ss:$0x81] =	vst.msk $0xffff, v59  }
0x13: {  	s31 =	sand.u32 $0x7, s13;
	s18 =	sadd.s32 s28, s18;
	s15 =	sor.u32 s30, s15;
	[tilespmem:s17+$0x2040 ss:$0x81] =	vst.msk $0xffff, v60  }
0x14: {  	s14 =	sadd.s32 s4, s14;
	s18 =	sshrl.u32 s18, $0x3;
	s15 =	sshrl.u32 s15, $0x3;
	[tilespmem:s17+$0x2850 ss:$0x81] =	vst.msk $0xffff, v61  }
0x15: {  	s13 =	sshll.u32 s31, $0x12;
	s18 =	sand.u32 $0x7FF80, s18;
	s14 =	sadd.s32 s15, s14;
	[tilespmem:s17+$0x3060 ss:$0x81] =	vst.msk $0xffff, v62  }
0x16: {  	s13 =	sor.u32 $0x400, s13;
	[tilespmem:s17+$0x0 ss:$0x81] =	vst.msk $0xffff, v63;
	s14 =	sadd.s32 s18, s14  }
0x17: {  	[hbm4b:s14+s13] =	stream.strided.scatter [tilespmem:s16], [sflag:$0x2], $0x4000, s8, s13, $0x20;
	[tilespmem:$0x10100] =	vst v63  }
.LBB1_5:
0x18: {  	s16 =	sadd.s32 $0x80, s9  }
0x19: {  	s13 =	sadd.s32 $0x100, s10;
	s17 =	smov.u32 s10;
	p2 =	sgt.s32 s16, $0xFFF  }
0x1a: {  	s17 =	smov.u32 @p2 s13  }
0x1b: {  	s19 =	smov.u32 s11;
	s13 =	sadd.s32 $0x10, s11;
	p3 =	sgt.s32 s17, $0x3FF  }
0x1c: {  	s19 =	smov.u32 @p3 s13  }
0x1d: {  	s16 =	simm.s32 @p2 $0x0;
	p2 =	sgt.s32 s19, $0xF  }
0x1e: {  	p1 =	slt.u32 s12, $0x2;
	s19 =	smov.u32 @p2 s3;
	p2 =	sne.s32 s12, s7  }
.Ltmp1:
0x1f: {  	s18 =	simm.s32 @!p1 $0x2;
	(pc) =	sbr.rel @!p2 .LBB1_6-.Ltmp1, $4  }
0x20: {  	s15 =	smov.u32 s9;
	s14 =	smov.u32 s11;
	_ =	swait.ge @!p1 [sflag:s18], $0x4000  }
0x21: {  	p0 =	por !p0, !p0;
	[sflag:s18] =	ssyncset.done @!p1 $0x0;
	s9 =	smov.u32 s16  }
0x22: {  	s17 =	smov.u32 @p3 s1;
	s13 =	smov.u32 s10;
	[sflag:s18] =	ssyncadd.s32 @!p1 $0xFFFFC000  }
0x23: {  	s10 =	smov.u32 s17;
	s12 =	sadd.s32 $0x1, s12;
	s11 =	smov.u32 s19  }
.LBB1_1:
0x24: {  	p1 =	sge.u32 s12, s6;
	s31 =	sadd.s32 $0xFFFFFFFF, s12  }
0x25: {  	s16 =	sxor.u32 @!p1 $0xFFFFFFFF, s12;
	s17 =	sand.u32 @!p1 $0x78, s9;
	s18 =	sshll.u32 @!p1 s10, $0xC  }
0x26: {  	s19 =	sshll.u32 @!p1 s10, $0x7;
	s20 =	sshll.u32 @!p1 s9, $0x3;
	s16 =	sshll.u32 @!p1 s16, $0xE  }
0x27: {  	s18 =	sand.u32 @!p1 $0x3F8000, s18;
	s19 =	sand.u32 @!p1 $0x380, s19;
	s16 =	sand.u32 @!p1 $0x4000, s16  }
0x28: {  	s18 =	sadd.s32 @!p1 s18, s20;
	s20 =	sand.u32 @!p1 $0xC00, s20;
	s17 =	sor.u32 @!p1 s19, s17  }
0x29: {  	s19 =	sshll.u32 @!p1 s11, $0x13;
	s17 =	sor.u32 @!p1 s20, s17;
	s18 =	sshrl.u32 @!p1 s18, $0x3  }
0x2a: {  	s19 =	sadd.s32 @!p1 s2, s19;
	s20 =	sand.u32 @!p1 $0x7, s9;
	s18 =	sand.u32 @!p1 $0x7FE00, s18  }
0x2b: {  	s17 =	sshrl.u32 @!p1 s17, $0x3;
	s18 =	sadd.s32 @!p1 s18, s19;
	s19 =	sshll.u32 @!p1 s20, $0x12  }
0x2c: {  	s17 =	sadd.s32 @!p1 s17, s18;
	s18 =	sor.u32 @!p1 $0x400, s19;
	s19 =	simm.s32 @!p1 $0x8000  }
0x2d: {  	[tilespmem:s16], [sflag:$0x1] =	stream.strided.gather @!p1 [hbm4b:s17+s18], $0x4000, s19, s18, $0x38;
	[tilespmem:$0x10100] =	vst v63  }
0x2e: {  	p1 =	sge.u32 s31, s6  }
.Ltmp2:
0x2f: {  	_ = 	snop;
	(pc) =	sbr.rel @p1 .LBB1_5-.Ltmp2, $1  }
0x30: {  	_ =	sdelay $0x3  }
0x31: {  	s16 =	simm.s32 $0x1  }
0x32: {  	_ =	swait.ge [sflag:s5], $0x4000;
	s16 =	simm.s32 @!p0 $0x0  }
0x33: {  	[sflag:s5] =	ssyncset.done $0x0;
	s17 =	sshll.u32 s16, $0xE  }
0x34: {  	[sflag:s5] =	ssyncadd.s32 $0xFFFFC000;
	s19 =	sor.u32 $0x40, s17  }
0x35: {  	s16 =	smul.u32 $0x10200, s16;
	v0 =	vld [tilespmem:s19+$0x30]  }
0x36: {  	v3 =	vld [tilespmem:s19+$0xFFFFFFD0]  }
0x37: {  	s16 =	sshrl.u32 s16, $0x2;
	v4 =	vld [tilespmem:s19+$0xFFFFFFE0]  }
0x38: {  	v5 =	vld [tilespmem:s19+$0xFFFFFFF0];
	s17 =	sor.u32 $0x8000, s16  }
0x39: {  	s31 =	sand.u32 $0x1, s12;
	v1 =	vld [tilespmem:s19+$0x0];
	s18 =	sadd.s32 $0x0, s17  }
0x3a: {  	v2 =	vld [tilespmem:s19+$0x10];
	s16 =	smul.u32 $0x10200, s31;
	[tilespmem:s18+$0x3870 ss:$0x81] =	vst.msk $0xffff, v0  }
0x3b: {  	[tilespmem:s18+$0x810 ss:$0x81] =	vst.msk $0xffff, v3;
	v3 =	vld [tilespmem:s19+$0x20]  }
0x3c: {  	s16 =	sshrl.u32 s16, $0x2;
	v0 =	vld [tilespmem:s19+$0xFFFFFFC0];
	[tilespmem:s18+$0x1020 ss:$0x81] =	vst.msk $0xffff, v4;
	s19 =	sadd.s32 $0x80, s19  }
0x3d: {  	s20 =	simm.s32 $0x4;
	s21 =	simm.s32 $0x8;
	s16 =	sor.u32 $0x8000, s16;
	[tilespmem:s18+$0x1830 ss:$0x81] =	vst.msk $0xffff, v5;
	v4 =	vld [tilespmem:s19+$0x30]  }
.LBB1_3:
0x3e: {  	p1 =	sne.s32 s21, $0x1FC;
	v5 =	vld [tilespmem:s19+$0xFFFFFFD0];
	[tilespmem:s18+$0x2040 ss:$0x81] =	vst.msk $0xffff, v1  }
0x3f: {  	v6 =	vld [tilespmem:s19+$0xFFFFFFE0];
	[tilespmem:s18+$0x2850 ss:$0x81] =	vst.msk $0xffff, v2  }
0x40: {  	s22 =	sshra.s32 s20, $0x2;
	s20 =	smov.u32 s21;
	v7 =	vld [tilespmem:s19+$0xFFFFFFF0];
	[tilespmem:s18+$0x3060 ss:$0x81] =	vst.msk $0xffff, v3  }
.Ltmp3:
0x41: {  	v1 =	vld [tilespmem:s19+$0x0];
	[tilespmem:s18+$0x0 ss:$0x81] =	vst.msk $0xffff, v0;
	s18 =	sadd.s32 s22, s17;
	(pc) =	sbr.rel @p1 .LBB1_3-.Ltmp3, $4  }
0x42: {  	v2 =	vld [tilespmem:s19+$0x10];
	[tilespmem:s18+$0x3870 ss:$0x81] =	vst.msk $0xffff, v4  }
0x43: {  	[tilespmem:s18+$0x810 ss:$0x81] =	vst.msk $0xffff, v5;
	v3 =	vld [tilespmem:s19+$0x20]  }
0x44: {  	v0 =	vld [tilespmem:s19+$0xFFFFFFC0];
	[tilespmem:s18+$0x1020 ss:$0x81] =	vst.msk $0xffff, v6;
	s19 =	sadd.s32 $0x80, s19  }
0x45: {  	s21 =	sadd.s32 $0x4, s21;
	v4 =	vld [tilespmem:s19+$0x30];
	[tilespmem:s18+$0x1830 ss:$0x81] =	vst.msk $0xffff, v7  }
.Ltmp4:
0x46: {  	_ = 	snop;
	(pc) =	sbr.rel .LBB1_4-.Ltmp4, $1  }
0x47: {  	_ =	sdelay $0x3  }
.LBB1_6:
0x48: {  	_ =	sfence.sel $0x180000  }
0x49: {  	s1 =	simm.s32 $0x1;
	[bflag:$0x0] =	sbarrier.arrive $0xFFFF  }
0x4a: {  	s31 =	simm.s32 $0x2;
	[sflag:s1] =	ssyncpa.u1 $0x1  }
0x4b: {  	[sflag:s31] =	ssyncpa.u1 $0x1  }
0x4c: {  	p0 =	sne.s32 s3, $0x0;
	_ =	strace $0x90000047  }
0x4d: {  	s0 =	sadd.s32 @!p0 $0x100000, s0;
	[bflag:$0x2] =	sbarrier.arrive $0xFFFF  }
0x4e: {  	[sflag:s0] =	ssyncadd.tile.s32 @!p0 $0x1;
	_ =	shalt  }
.Lfunc_end1:
_tile_overlayer_lowered:
.L_overlay_start_2:
0x4f: {  	(tag) =	ssettag $0x2  }
0x50: {  	s0 =	rddreg [dreg:$0x0];
	s2 =	stileid.u32  }
0x51: {  	s1 =	rddreg [dreg:$0x1];
	p0 =	sne.s32 s2, $0x0  }
0x52: {  	s3 =	rddreg [dreg:$0x2];
	[bflag:$0x3] =	sbarrier.arrive $0xFFFF;
	s2 =	simm.s32 @!p0 $0x1C01  }
0x53: {  	[timem:s3], [sflag:s2] =	dma.local @!p0 [hbm:s0], s1  }
0x54: {  	s0 =	simm.s32 @!p0 $0x1  }
0x55: {  	_ =	swait.ge @!p0 [sflag:s0], s1  }
0x56: {  	s1 =	ssub.s32 @!p0 $0x0, s1;
	[sflag:s0] =	ssyncset.done @!p0 $0x0  }
0x57: {  	[sflag:s0] =	ssyncadd.s32 @!p0 s1  }
0x58: {  	[bflag:$0x3] =	sbarrier.arrive $0xFFFF  }
0x59: {  	_ =	shalt  }

// kernel: sparse-core-data-format-call.cloned.1.call-start
scs
called_computation_lowered:
.L_overlay_start_0:
0x0: {  	s2 =	sld [smem:$0x3FD9]  }
0x1: {  	s3 =	sld [smem:$0x3FFE];
	_ =	sdelay $0x1  }
0x2: {  	s1 =	srdreg.scid  }
0x3: {  	s0 =	sand.u32 $0x1, s1  }
0x4: {  	s18 =	sshll.u32 s0, $0xA;
	s2 =	sadd.s32 s3, s2  }
0x5: {  	s2 =	sadd.s32 s2, s18  }
0x6: {  	[smem:$0x3FA0] =	sst s2  }
0x7: {  	_ = 	snop  }
0x8: {  	(tm) =	ssettm $0x1  }
0x9: {  	s19 =	sld [smem:$0x3FFB];
	_ =	sdelay $0x3  }
0xa: {  	_ =	strace s19  }
0xb: {  	s2 =	sld [smem:$0x3FFC];
	_ =	sdelay $0x3  }
0xc: {  	_ =	strace s2  }
0xd: {  	s2 =	sld [smem:$0x3FFD];
	_ =	sdelay $0x3  }
0xe: {  	_ =	strace s2  }
0xf: {  	_ =	strace $0x8FFFFFFF  }
0x10: {  	s20 =	sld [smem:$0x3FDB];
	_ =	sdelay $0x1  }
0x11: {  	s21 =	simm.s32 $_scs_section_size  }
0x12: {  	s4 =	simm.s32 $_size__tile_overlayer_lowered;
	s5 =	simm.s32 $_tile_overlayer_lowered  }
0x13: {  	s6 =	simm.s32 $0x1BFF;
	s22 =	sshll.u32 s5, $0x1;
	s3 =	sadd.s32 s21, s20  }
0x14: {  	s23 =	simm.s32 $0x0;
	s4 =	sshll.u32 s4, $0x1;
	s5 =	sadd.s32 s22, s3  }
0x15: {  	[timem:s23], [sflag:s6] =	dma.local [hbm:s5], s4  }
0x16: {  	_ =	swait.ge [sflag:s6], s4  }
0x17: {  	s4 =	ssub.s32 $0x0, s4;
	[sflag:s6] =	ssyncset.done $0x0  }
0x18: {  	[sflag:s6] =	ssyncadd.s32 s4;
	_ =	sdelay $0x1  }
0x19: {  	s24 =	simm.s32 $0x1B8B  }
0x1a: {  	_ =	swait.ge [sflag:s24], $0x1  }
0x1b: {  	[sflag:s24] =	ssyncset.done $0x0  }
0x1c: {  	[sflag:s24] =	ssyncadd.s32 $0xFFFFFFFF  }
0x1d: {  	s4 =	sld [smem:$0x0]  }
0x1e: {  	s5 =	sand.u32 $0xFFFFFFFE, s1  }
0x1f: {  	p0 =	sne.s32 s1, s5  }
0x20: {  	s5 =	sshll.u32 @p0 s5, $0xE  }
0x21: {  	s5 =	sadd.s32 @p0 $0x11B8D, s5;
	s6 =	sshll.u32 @p0 s4, $0x11  }
0x22: {  	s5 =	sor.u32 @p0 s6, s5  }
0x23: {  	[sflag:s5] =	ssyncadd.remote.s32 @p0 $0x1;
	_ =	sdelay $0x1  }
0x24: {  	s5 =	simm.s32 @p0 $0x1B8D  }
0x25: {  	_ =	swait.eq @p0 [sflag:s5], $0x1  }
0x26: {  	[sflag:s5] =	ssyncadd.s32 @p0 $0xFFFFFFFF  }
0x27: {  	s6 =	sshll.u32 @!p0 s1, $0xE  }
0x28: {  	s6 =	sor.u32 @!p0 $0x4000, s6;
	s5 =	simm.s32 @!p0 $0x1B8D  }
0x29: {  	s4 =	sshll.u32 @!p0 s4, $0x11;
	s6 =	sadd.s32 @!p0 $0x11B8D, s6;
	_ =	swait.eq @!p0 [sflag:s5], $0x1  }
0x2a: {  	s4 =	sor.u32 @!p0 s4, s6;
	[sflag:s5] =	ssyncadd.s32 @!p0 $0xFFFFFFFF  }
0x2b: {  	s26 =	simm.s32 $0x1B8E;
	s25 =	sld [smem:$0x3FFE];
	[sflag:s4] =	ssyncadd.remote.s32 @!p0 $0x1  }
0x2c: {  	s27 =	simm.s32 $execute0_lowered;
	[smem:$0x3FD2] =	sst s26  }
0x2d: {  	s5 =	sshll.u32 s27, $0x1;
	_ =	strace $0x80000049;
	[dreg:$0x1] =	wrdreg $0xFFFFFFFF  }
0x2e: {  	s28 =	simm.s32 $_size_execute0_lowered;
	s3 =	sadd.s32 s3, s5;
	[dreg:$0x0] =	wrdreg $0x0  }
0x2f: {  	s5 =	sshll.u32 s28, $0x1;
	[dreg:$0x2] =	wrdreg s3  }
0x30: {  	[dreg:$0x3] =	wrdreg s5  }
0x31: {  	[dreg:$0x4] =	wrdreg $0xC0  }
0x32: {  	_ =	task [dreg:s23], $0x5FFFF  }
0x33: {  	[dreg:$0x1] =	wrdreg $0xFFFFFFFF  }
0x34: {  	[dreg:$0x0] =	wrdreg $0x60  }
0x35: {  	[dreg:$0x2] =	wrdreg s25  }
0x36: {  	[dreg:$0x3] =	wrdreg $0x9  }
0x37: {  	_ =	task.clear_ibuf [dreg:s23], $0x4FFFF;
	_ =	strace $0x90000049  }
0x38: {  	s29 =	simm.s32 $0x9;
	_ =	strace $0x8000004B  }
0x39: {  	_ =	swait.ge [sflag:s29], $0x1  }
0x3a: {  	[sflag:s29] =	ssyncadd.s32 $0xFFFFFFFF  }
0x3b: {  	_ =	strace $0x9000004B  }
0x3c: {  	_ =	sfence  }
0x3d: {  	s30 =	sld [smem:$0x0];
	_ =	sdelay $0x2  }
0x3e: {  	s31 =	sshll.u32 s1, $0xD;
	s1 =	sshrl.u32 s1, $0x2  }
0x3f: {  	s4 =	sand.u32 $0x4000, s31;
	s1 =	sadd.s32 s1, s30  }
0x40: {  	s0 =	sor.u32 s4, s0;
	s1 =	sshll.u32 s1, $0x11  }
0x41: {  	s0 =	sor.u32 s1, s0  }
0x42: {  	s0 =	sadd.s32 $0x8F2B, s0  }
0x43: {  	[sflag:s0] =	ssyncadd.remote.s32 $0x1  }
0x44: {  	_ =	sfence.sel $0xFFFF  }
0x45: {  	[dreg:$0x0] =	wrdreg $0xFFFFFFFF;
	(pc) =	sbr.abs _section_cstart, $3  }
0x46: {  	[dreg:$0x1] =	wrdreg $0xFFFFFFFF  }
0x47: {  	_ =	task.clear_ibuf [dreg:s23], $0x2FFFF;
	_ =	strace $0x9FFFFFFF  }
0x48: {  	(tm) =	ssettm $0x7FFFFFFF  }
0x49: {  	_ =	shalt  }
tec
execute0_lowered:
.L_overlay_start_1:
0x0: {  	(tag) =	ssettag $0x1  }
0x1: {  	s0 =	srdreg.scid;
	s3 =	rddreg [dreg:$0x0];
	s5 =	simm.s32 $0x1  }
0x2: {  	s7 =	simm.s32 $0x2;
	s15 =	simm.s32 $0x0;
	p0 =	por $0x0, $0x0  }
0x3: {  	s8 =	simm.s32 $0x8000;
	s13 =	simm.s32 $0x0;
	s1 =	sshll.u32 s0, $0x7  }
0x4: {  	s14 =	simm.s32 $0x0;
	s9 =	simm.s32 $0x0;
	s1 =	sand.u32 $0x80, s1  }
0x5: {  	s0 =	rddreg [dreg:$0x1];
	_ =	strace $0x8000004A;
	s6 =	ssub.s32 $0x1000, s1  }
.Ltmp0:
0x6: {  	s2 =	sadd.s32 $0x1014A00, s3;
	s31 =	sshrl.u32 s6, $0x7;
	(pc) =	sbr.rel .LBB1_1-.Ltmp0, $4  }
0x7: {  	s4 =	sadd.s32 $0x1814A00, s3;
	s6 =	sshrl.u32 s6, $0x8;
	s3 =	sand.u32 $0x1, s31  }
0x8: {  	s11 =	stileid.u32;
	[sflag:s5] =	ssyncpa.u1 $0x0;
	s6 =	sadd.s32 s6, s3  }
0x9: {  	s12 =	simm.s32 $0x0;
	[sflag:s7] =	ssyncpa.u1 $0x0;
	s6 =	sshll.u32 s6, $0x3  }
0xa: {  	s10 =	smov.u32 s1;
	s3 =	stileid.u32;
	s7 =	sor.u32 $0x1, s6  }
.LBB1_4:
0xb: {  	v5 =	vld [tilespmem:s18+$0xFFFFFFD0]  }
0xc: {  	[tilespmem:s19+$0x2040 ss:$0x81] =	vst.msk $0xffff, v1;
	v58 =	vld [tilespmem:s18+$0xFFFFFFE0]  }
0xd: {  	[tilespmem:s19+$0x2850 ss:$0x81] =	vst.msk $0xffff, v2;
	v59 =	vld [tilespmem:s18+$0xFFFFFFF0]  }
0xe: {  	s20 =	sshra.s32 s20, $0x2;
	[tilespmem:s19+$0x3060 ss:$0x81] =	vst.msk $0xffff, v3;
	v60 =	vld [tilespmem:s18+$0x0]  }
0xf: {  	[tilespmem:s19+$0x0 ss:$0x81] =	vst.msk $0xffff, v0;
	v61 =	vld [tilespmem:s18+$0x10];
	s17 =	sadd.s32 s20, s17  }
0x10: {  	s26 =	sshll.u32 s15, $0xC;
	v62 =	vld [tilespmem:s18+$0x20];
	[tilespmem:s17+$0x3870 ss:$0x81] =	vst.msk $0xffff, v4  }
0x11: {  	s27 =	sand.u32 $0x78, s13;
	s21 =	sshll.u32 s13, $0x3;
	v63 =	vld [tilespmem:s18+$0xFFFFFFC0];
	s29 =	sshll.u32 s15, $0x7;
	[tilespmem:s17+$0x810 ss:$0x81] =	vst.msk $0xffff, v5  }
0x12: {  	s14 =	sshll.u32 s14, $0x13;
	s19 =	sand.u32 $0x3F8000, s26;
	s28 =	sand.u32 $0x3FFC00, s21;
	[tilespmem:s17+$0x1020 ss:$0x81] =	vst.msk $0xffff, v58  }
0x13: {  	s31 =	sand.u32 $0x7, s13;
	s21 =	sand.u32 $0xC00, s21;
	s18 =	sadd.s32 s28, s19;
	[tilespmem:s17+$0x1830 ss:$0x81] =	vst.msk $0xffff, v59  }
0x14: {  	s15 =	sand.u32 $0x380, s29;
	s30 =	sor.u32 s27, s21;
	s18 =	sshrl.u32 s18, $0x3;
	[tilespmem:s17+$0x2040 ss:$0x81] =	vst.msk $0xffff, v60  }
0x15: {  	s14 =	sadd.s32 s4, s14;
	s15 =	sor.u32 s15, s30;
	s18 =	sand.u32 $0x7FE00, s18;
	[tilespmem:s17+$0x2850 ss:$0x81] =	vst.msk $0xffff, v61  }
0x16: {  	s13 =	sshll.u32 s31, $0x12;
	s15 =	sshrl.u32 s15, $0x3;
	[tilespmem:s17+$0x3060 ss:$0x81] =	vst.msk $0xffff, v62;
	s14 =	sadd.s32 s18, s14  }
0x17: {  	s13 =	sor.u32 $0x400, s13;
	[tilespmem:s17+$0x0 ss:$0x81] =	vst.msk $0xffff, v63;
	s14 =	sadd.s32 s15, s14  }
0x18: {  	[hbm4b:s14+s13] =	stream.strided.scatter [tilespmem:s16], [sflag:$0x2], $0x4000, s8, s13, $0x20;
	[tilespmem:$0x10100] =	vst v63  }
.LBB1_5:
0x19: {  	s16 =	sadd.s32 $0x80, s9  }
0x1a: {  	s13 =	sadd.s32 $0x100, s10;
	s17 =	smov.u32 s10;
	p2 =	sgt.s32 s16, $0x3FF  }
0x1b: {  	s17 =	smov.u32 @p2 s13  }
0x1c: {  	s19 =	smov.u32 s11;
	s13 =	sadd.s32 $0x10, s11;
	p3 =	sgt.s32 s17, $0xFFF  }
0x1d: {  	s19 =	smov.u32 @p3 s13  }
0x1e: {  	s16 =	simm.s32 @p2 $0x0;
	p2 =	sgt.s32 s19, $0xF  }
0x1f: {  	p1 =	slt.u32 s12, $0x2;
	s19 =	smov.u32 @p2 s3;
	p2 =	sne.s32 s12, s7  }
.Ltmp1:
0x20: {  	s18 =	simm.s32 @!p1 $0x2;
	(pc) =	sbr.rel @!p2 .LBB1_6-.Ltmp1, $4  }
0x21: {  	s15 =	smov.u32 s9;
	s14 =	smov.u32 s11;
	_ =	swait.ge @!p1 [sflag:s18], $0x4000  }
0x22: {  	p0 =	por !p0, !p0;
	[sflag:s18] =	ssyncset.done @!p1 $0x0;
	s9 =	smov.u32 s16  }
0x23: {  	s17 =	smov.u32 @p3 s1;
	s13 =	smov.u32 s10;
	[sflag:s18] =	ssyncadd.s32 @!p1 $0xFFFFC000  }
0x24: {  	s10 =	smov.u32 s17;
	s12 =	sadd.s32 $0x1, s12;
	s11 =	smov.u32 s19  }
.LBB1_1:
0x25: {  	p1 =	sge.u32 s12, s6  }
0x26: {  	s31 =	sadd.s32 $0xFFFFFFFF, s12;
	s16 =	sshll.u32 @!p1 s10, $0x7  }
0x27: {  	s17 =	sxor.u32 @!p1 $0xFFFFFFFF, s12;
	s18 =	sand.u32 @!p1 $0x78, s9;
	s19 =	sand.u32 @!p1 $0x380, s16  }
0x28: {  	s17 =	sshll.u32 @!p1 s17, $0xE;
	s18 =	sor.u32 @!p1 s18, s19;
	s19 =	sshll.u32 @!p1 s11, $0x13  }
0x29: {  	s16 =	sand.u32 @!p1 $0x7FC00, s16;
	s18 =	sshrl.u32 @!p1 s18, $0x3;
	s19 =	sadd.s32 @!p1 s2, s19  }
0x2a: {  	s16 =	sadd.s32 @!p1 s9, s16;
	s18 =	sadd.s32 @!p1 s18, s19;
	s19 =	sand.u32 @!p1 $0x7, s9  }
0x2b: {  	s17 =	sand.u32 @!p1 $0x4000, s17;
	s16 =	sand.u32 @!p1 $0x7FF80, s16;
	s19 =	sshll.u32 @!p1 s19, $0x12  }
0x2c: {  	s16 =	sadd.s32 @!p1 s16, s18;
	s18 =	sor.u32 @!p1 $0x400, s19;
	s19 =	simm.s32 @!p1 $0x2000  }
0x2d: {  	[tilespmem:s17], [sflag:$0x1] =	stream.strided.gather @!p1 [hbm4b:s16+s18], $0x4000, s19, s18, $0x38;
	[tilespmem:$0x10100] =	vst v63  }
0x2e: {  	p1 =	sge.u32 s31, s6  }
.Ltmp2:
0x2f: {  	_ = 	snop;
	(pc) =	sbr.rel @p1 .LBB1_5-.Ltmp2, $1  }
0x30: {  	_ =	sdelay $0x3  }
0x31: {  	s16 =	simm.s32 $0x1  }
0x32: {  	_ =	swait.ge [sflag:s5], $0x4000;
	s16 =	simm.s32 @!p0 $0x0  }
0x33: {  	[sflag:s5] =	ssyncset.done $0x0;
	s17 =	sshll.u32 s16, $0xE  }
0x34: {  	[sflag:s5] =	ssyncadd.s32 $0xFFFFC000;
	s18 =	sor.u32 $0x40, s17  }
0x35: {  	s16 =	smul.u32 $0x10200, s16;
	v0 =	vld [tilespmem:s18+$0x30]  }
0x36: {  	v3 =	vld [tilespmem:s18+$0xFFFFFFD0]  }
0x37: {  	s16 =	sshrl.u32 s16, $0x2;
	v4 =	vld [tilespmem:s18+$0xFFFFFFE0]  }
0x38: {  	v5 =	vld [tilespmem:s18+$0xFFFFFFF0];
	s17 =	sor.u32 $0x8000, s16  }
0x39: {  	s31 =	sand.u32 $0x1, s12;
	v1 =	vld [tilespmem:s18+$0x0];
	s19 =	sadd.s32 $0x0, s17  }
0x3a: {  	v2 =	vld [tilespmem:s18+$0x10];
	s16 =	smul.u32 $0x10200, s31;
	[tilespmem:s19+$0x3870 ss:$0x81] =	vst.msk $0xffff, v0  }
0x3b: {  	[tilespmem:s19+$0x810 ss:$0x81] =	vst.msk $0xffff, v3;
	v3 =	vld [tilespmem:s18+$0x20]  }
0x3c: {  	s16 =	sshrl.u32 s16, $0x2;
	v0 =	vld [tilespmem:s18+$0xFFFFFFC0];
	[tilespmem:s19+$0x1020 ss:$0x81] =	vst.msk $0xffff, v4;
	s18 =	sadd.s32 $0x80, s18  }
0x3d: {  	s20 =	simm.s32 $0x4;
	s21 =	simm.s32 $0x8;
	s16 =	sor.u32 $0x8000, s16;
	[tilespmem:s19+$0x1830 ss:$0x81] =	vst.msk $0xffff, v5;
	v4 =	vld [tilespmem:s18+$0x30]  }
.LBB1_3:
0x3e: {  	p1 =	sne.s32 s21, $0x1FC;
	v5 =	vld [tilespmem:s18+$0xFFFFFFD0];
	[tilespmem:s19+$0x2040 ss:$0x81] =	vst.msk $0xffff, v1  }
0x3f: {  	v6 =	vld [tilespmem:s18+$0xFFFFFFE0];
	[tilespmem:s19+$0x2850 ss:$0x81] =	vst.msk $0xffff, v2  }
0x40: {  	s22 =	sshra.s32 s20, $0x2;
	s20 =	smov.u32 s21;
	v7 =	vld [tilespmem:s18+$0xFFFFFFF0];
	[tilespmem:s19+$0x3060 ss:$0x81] =	vst.msk $0xffff, v3  }
.Ltmp3:
0x41: {  	v1 =	vld [tilespmem:s18+$0x0];
	[tilespmem:s19+$0x0 ss:$0x81] =	vst.msk $0xffff, v0;
	s19 =	sadd.s32 s22, s17;
	(pc) =	sbr.rel @p1 .LBB1_3-.Ltmp3, $4  }
0x42: {  	v2 =	vld [tilespmem:s18+$0x10];
	[tilespmem:s19+$0x3870 ss:$0x81] =	vst.msk $0xffff, v4  }
0x43: {  	[tilespmem:s19+$0x810 ss:$0x81] =	vst.msk $0xffff, v5;
	v3 =	vld [tilespmem:s18+$0x20]  }
0x44: {  	v0 =	vld [tilespmem:s18+$0xFFFFFFC0];
	[tilespmem:s19+$0x1020 ss:$0x81] =	vst.msk $0xffff, v6;
	s18 =	sadd.s32 $0x80, s18  }
0x45: {  	s21 =	sadd.s32 $0x4, s21;
	v4 =	vld [tilespmem:s18+$0x30];
	[tilespmem:s19+$0x1830 ss:$0x81] =	vst.msk $0xffff, v7  }
.Ltmp4:
0x46: {  	_ = 	snop;
	(pc) =	sbr.rel .LBB1_4-.Ltmp4, $1  }
0x47: {  	_ =	sdelay $0x3  }
.LBB1_6:
0x48: {  	_ =	sfence.sel $0x180000  }
0x49: {  	s1 =	simm.s32 $0x1;
	[bflag:$0x0] =	sbarrier.arrive $0xFFFF  }
0x4a: {  	s31 =	simm.s32 $0x2;
	[sflag:s1] =	ssyncpa.u1 $0x1  }
0x4b: {  	[sflag:s31] =	ssyncpa.u1 $0x1  }
0x4c: {  	p0 =	sne.s32 s3, $0x0;
	_ =	strace $0x9000004A  }
0x4d: {  	s0 =	sadd.s32 @!p0 $0x100000, s0;
	[bflag:$0x2] =	sbarrier.arrive $0xFFFF  }
0x4e: {  	[sflag:s0] =	ssyncadd.tile.s32 @!p0 $0x1;
	_ =	shalt  }
.Lfunc_end1:
_tile_overlayer_lowered:
.L_overlay_start_2:
0x4f: {  	(tag) =	ssettag $0x2  }
0x50: {  	s0 =	rddreg [dreg:$0x0];
	s2 =	stileid.u32  }
0x51: {  	s1 =	rddreg [dreg:$0x1];
	p0 =	sne.s32 s2, $0x0  }
0x52: {  	s3 =	rddreg [dreg:$0x2];
	[bflag:$0x3] =	sbarrier.arrive $0xFFFF;
	s2 =	simm.s32 @!p0 $0x1C01  }
0x53: {  	[timem:s3], [sflag:s2] =	dma.local @!p0 [hbm:s0], s1  }
0x54: {  	s0 =	simm.s32 @!p0 $0x1  }
0x55: {  	_ =	swait.ge @!p0 [sflag:s0], s1  }
0x56: {  	s1 =	ssub.s32 @!p0 $0x0, s1;
	[sflag:s0] =	ssyncset.done @!p0 $0x0  }
0x57: {  	[sflag:s0] =	ssyncadd.s32 @!p0 s1  }
0x58: {  	[bflag:$0x3] =	sbarrier.arrive $0xFFFF  }
0x59: {  	_ =	shalt  }

</sc_bundles>
